<compile_context>
chip_gen: v7x
topology: tpu7x:2x2x1
jax: 0.10.2.dev20260603
libtpu: 0.0.44.dev20260713+nightly
codegen_flags: <defaults>
</compile_context>

<pallas_src>
import functools

import jax
import jax.numpy as jnp
from jax import lax
from jax.experimental import pallas as pl
from jax.experimental.pallas import tpu as pltpu
from jax.experimental.pallas import tpu_sc as plsc

_K = 8192
_D = 32
_N = 8192
_BLK = 1024
_NBLK = _N // _BLK
_CTILE = 2048
_NCT = _K // _CTILE

_BETA = 0.25
_ALPHA = 1.0



def _dist_argmin_kernel(zf_ref, zfsq_ref, emb_ref, token_ref, hist_ref, pad_ref,
                        esq_ref, e2_ref):
    @pl.when(pl.program_id(0) == 0)
    def _():
        emb0 = emb_ref[...]
        esq_ref[...] = jnp.sum(emb0 * emb0, axis=1).reshape(1, _K)
        e2_ref[...] = emb0 + emb0
        pad_ref[...] = jnp.concatenate(
            [emb0, jnp.zeros((_K, _DP - _D), jnp.float32)], axis=1)

    zf = zf_ref[...]
    zf_sq = zfsq_ref[...]
    e_sq = esq_ref[...]
    zf16 = zf.astype(jnp.bfloat16).astype(jnp.float32)
    dot2 = lax.dot_general(zf16, e2_ref[...], (((1,), (1,)), ((), ())),
                           preferred_element_type=jnp.float32)
    d = (zf_sq + e_sq) - dot2
    acc = jnp.full((_BLK,), jnp.inf, jnp.float32)
    win = jnp.zeros((_BLK,), jnp.int32)
    for t in range(_NCT):
        dt = d[:, t * _CTILE:(t + 1) * _CTILE]
        m = jnp.min(dt, axis=1)
        ii = lax.broadcasted_iota(jnp.int32, (_BLK, _CTILE), 1)
        idx = jnp.min(jnp.where(dt == m[:, None], ii, _CTILE), axis=1) + t * _CTILE
        upd = m < acc
        win = jnp.where(upd, idx, win)
        acc = jnp.where(upd, m, acc).astype(jnp.bfloat16).astype(jnp.float32)
    token_ref[...] = win.reshape(1, 1, _BLK)

    @pl.when(pl.program_id(0) == 0)
    def _():
        hist_ref[...] = jnp.zeros((1, _K), jnp.float32)

    kk = lax.broadcasted_iota(jnp.int32, (_BLK, _K), 1)
    hist_ref[...] += jnp.sum((win[:, None] == kk).astype(jnp.float32),
                             axis=0, keepdims=True)


def _dist_argmin(zf, zf_sq, emb_w):
    token3, hist, emb_pad = pl.pallas_call(
        _dist_argmin_kernel,
        grid=(_NBLK,),
        in_specs=[
            pl.BlockSpec((_BLK, _D), lambda i: (i, 0)),
            pl.BlockSpec((_BLK, 1), lambda i: (i, 0)),
            pl.BlockSpec((_K, _D), lambda i: (0, 0)),
        ],
        out_specs=[
            pl.BlockSpec((1, 1, _BLK), lambda i: (i, 0, 0)),
            pl.BlockSpec((1, _K), lambda i: (0, 0)),
            pl.BlockSpec((_K, _DP), lambda i: (0, 0)),
        ],
        out_shape=[
            jax.ShapeDtypeStruct((_NBLK, 1, _BLK), jnp.int32),
            jax.ShapeDtypeStruct((1, _K), jnp.float32),
            jax.ShapeDtypeStruct((_K, _DP), jnp.float32),
        ],
        scratch_shapes=[
            pltpu.VMEM((1, _K), jnp.float32),
            pltpu.VMEM((_K, _D), jnp.float32),
        ],
    )(zf, zf_sq, emb_w)
    return token3.reshape(_N), hist, emb_pad



_SC_INFO = plsc.get_sparse_core_info()
_NC = _SC_INFO.num_cores
_NS = _SC_INFO.num_subcores
_NW = _NC * _NS
_BPW = _N // _NW
_CHUNK = 128
_NCHUNK = _BPW // _CHUNK
_ZS = _K // _NS


_DP = 128


@functools.partial(
    pl.kernel,
    mesh=plsc.VectorSubcoreMesh(core_axis_name="c", subcore_axis_name="s"),
    out_type=jax.ShapeDtypeStruct((_NW, _NCHUNK, _CHUNK, _DP), jnp.float32),
    scratch_types=[
        pltpu.VMEM((_NCHUNK, _CHUNK), jnp.int32),
        pltpu.VMEM((_NCHUNK, _CHUNK, _DP), jnp.float32),
        pltpu.SemaphoreType.DMA,
    ],
)
def _sc_gather(emb_hbm, tok_hbm, zq_hbm, idx_v, rows_v, sem):
    cid = lax.axis_index("c")
    sid = lax.axis_index("s")
    wid = sid * _NC + cid
    pltpu.sync_copy(tok_hbm.at[wid], idx_v)
    descs = [pltpu.async_copy(emb_hbm.at[idx_v.at[c]], rows_v.at[c], sem)
             for c in range(_NCHUNK)]
    for dsc in descs:
        dsc.wait()
    pltpu.sync_copy(rows_v, zq_hbm.at[wid])




def _scalars_kernel(z_ref, zq_ref, hist_ref, loss_ref, qerr_ref, util_ref, perp_ref):
    diff = zq_ref[...] - z_ref[...]
    s = jnp.sum(diff * diff)
    hist = hist_ref[...].reshape(_K)
    total = jnp.sum(hist)
    avg = hist / total
    m = s / jnp.float32(_N * _D)
    loss_ref[...] = (_BETA * m + _ALPHA * m).reshape(1, 1)
    qerr_ref[...] = (s / jnp.float32(_N)).reshape(1, 1)
    util_ref[...] = (jnp.sum((hist > 0).astype(jnp.float32))
                     / jnp.float32(_K)).reshape(1, 1)
    perp_ref[...] = jnp.exp(-jnp.sum(avg * jnp.log(avg + 1e-10))).reshape(1, 1)


def _scalars(z2, zq2, hist):
    outs = pl.pallas_call(
        _scalars_kernel,
        out_shape=[jax.ShapeDtypeStruct((1, 1), jnp.float32)] * 4,
    )(z2, zq2, hist)
    return tuple(o.reshape(()) for o in outs)




def kernel(z, emb_w, embed_prob):
    sg = lax.stop_gradient
    zp = jnp.transpose(z, (0, 2, 3, 1))
    zf = zp.reshape(-1, _D)
    zf_sq = jnp.sum(zf ** 2, axis=1, keepdims=True)
    token, hist, emb_pad = _dist_argmin(zf, zf_sq, emb_w)
    zq4d = _sc_gather(emb_pad, token.reshape(_NW, _NCHUNK, _CHUNK))
    zq = zq4d.reshape(_N, _DP)[:, :_D]
    loss, quant_error, utilization, perplexity = _scalars(zf, zq, hist)
    zq4 = zq.reshape(zp.shape)
    z_q_st = zp + sg(zq4 - zp)
    z_q_out = jnp.transpose(z_q_st, (0, 3, 1, 2))
    return (z_q_out, loss, quant_error, utilization, perplexity)

# --- scband reference (transcript-rebuilt; emitter-appended) ---
"""Pipeline reference for scband-online-quantizer-17995912970295 (READ-ONLY COPY).

The authoritative reference and input builder live on the scoring server;
editing this copy changes nothing except your own understanding.
"""

import jax, jax.numpy as jnp
import numpy as np

CODEBOOK_SIZE = 8192
CODEBOOK_DIM = 32
BETA = 0.25
ALPHA = 1.0
DECAY = 0.99


def setup_inputs(seed: int = 0) -> dict:
    key = jax.random.key(seed)
    k1, k2 = jax.random.split(key)
    z = jax.random.normal(k1, (8, CODEBOOK_DIM, 32, 32), dtype=jnp.float32)
    emb_w = jax.random.uniform(k2, (CODEBOOK_SIZE, CODEBOOK_DIM), minval=-1.0 / CODEBOOK_SIZE, maxval=1.0 / CODEBOOK_SIZE, dtype=jnp.float32)
    embed_prob = jnp.zeros((CODEBOOK_SIZE,), dtype=jnp.float32)
    return {"z": z, "emb_w": emb_w, "embed_prob": embed_prob}


def reference(z, emb_w, embed_prob):
    sg = jax.lax.stop_gradient
    # permute NCHW -> NHWC and flatten
    zp = jnp.transpose(z, (0, 2, 3, 1))
    zf = zp.reshape(-1, CODEBOOK_DIM)
    # squared L2 distances to codebook entries
    d = jnp.sum(zf ** 2, axis=1, keepdims=True) + jnp.sum(emb_w ** 2, axis=1) - 2.0 * (zf @ emb_w.T)
    token = jnp.argmin(d, axis=1)
    z_q = jnp.take(emb_w, token, axis=0).reshape(zp.shape)
    loss = BETA * jnp.mean((sg(z_q) - zp) ** 2) + ALPHA * jnp.mean((z_q - sg(zp)) ** 2)
    # straight-through estimator
    z_q_st = zp + sg(z_q - zp)
    histogram = jnp.bincount(token, length=CODEBOOK_SIZE).astype(jnp.float32)
    avg_probs = histogram / jnp.sum(histogram)
    # EMA buffer update (buffer side-effect in torch; computed functionally here)
    new_embed_prob = embed_prob * DECAY + avg_probs * (1.0 - DECAY)
    # anchor sampling: per-code, feature with the largest distance
    idx_sorted = jnp.argsort(d, axis=0)
    random_feat = sg(zf)[idx_sorted[-1, :]]
    decay = jnp.exp(-(new_embed_prob * CODEBOOK_SIZE * 10.0) / (1.0 - DECAY) - 0.001)[:, None]
    new_emb_w = emb_w * (1.0 - decay) + random_feat * decay  # buffer-style codebook update (not returned, matches torch return signature)
    _ = new_emb_w
    quant_error = jnp.mean(jnp.sum((sg(z_q_st) - sg(zp)) ** 2, axis=3))
    codebook_usage_counts = jnp.sum((histogram > 0).astype(jnp.float32))
    codebook_utilization = codebook_usage_counts / CODEBOOK_SIZE
    codebook_perplexity = jnp.exp(-jnp.sum(avg_probs * jnp.log(avg_probs + 1e-10)))
    z_q_out = jnp.transpose(z_q_st, (0, 3, 1, 2))
    return (z_q_out, loss, quant_error, codebook_utilization, codebook_perplexity)

if __name__ == "__main__":
    import jax
    _d = setup_inputs()
    print(jax.jit(kernel)(*tuple(_d.values())))

</pallas_src>

<mosaic_0001>
#map = affine_map<(d0, d1) -> (0, 0)>
#map1 = affine_map<(d0, d1) -> (0, 0, 0)>
#map2 = affine_map<(d0, d1) -> (0, 0, 0, 0)>
module attributes {stable_mosaic.version = 14 : i64} {
  func.func @_sc_gather(%arg0: i32, %arg1: i32, %arg2: memref<8192x128xf32, #tpu.memory_space<hbm>>, %arg3: memref<32x2x128xi32, #tpu.memory_space<hbm>>, %arg4: memref<32x2x128x128xf32, #tpu.memory_space<hbm>>, %arg5: memref<2x128xi32, #tpu.memory_space<vmem>>, %arg6: memref<2x128x128xf32, #tpu.memory_space<vmem>>, %arg7: memref<!tpu.dma_semaphore, #tpu.memory_space<semaphore_mem>>) attributes {dimension_semantics = [#tpu.dimension_semantics<core_parallel>, #tpu.dimension_semantics<subcore_parallel>], iteration_bounds = array<i64: 2, 16>, scalar_prefetch = 0 : i64, scratch_operands = 3 : i64, tpu.core_type = #tpu.core_type<sc_vector_subcore>, window_params = [{transform_indices = #map}, {transform_indices = #map1}, {transform_indices = #map2}]} {
    %mul3A = arith.constant 2 : i32
    %mul3A_0 = arith.muli %arg1, %mul3A : i32
    %add3A = arith.addi %mul3A_0, %arg0 : i32
    "tpu.region"() ({
      %run_scoped3A = tpu.sem_alloc : memref<!tpu.dma_semaphore, #tpu.memory_space<semaphore_mem>>
      %dma_start3A_47 = arith.constant 0 : i32
      %dma_start3A_48 = arith.constant 0 : i32
      %dma_start3A_49 = tpu.memref_slice %arg3[%add3A, %dma_start3A_47, %dma_start3A_48] : memref<32x2x128xi32, #tpu.memory_space<hbm>> -> memref<1x2x128xi32, #tpu.memory_space<hbm>>
      %dma_start3A_50 = tpu.memref_squeeze %dma_start3A_49 : memref<1x2x128xi32, #tpu.memory_space<hbm>> -> memref<2x128xi32, #tpu.memory_space<hbm>>
      %dma_start3A_51 = arith.constant 0 : i32
      %dma_start3A_52 = arith.constant 0 : i32
      %dma_start3A_53 = tpu.memref_slice %arg3[%add3A, %dma_start3A_51, %dma_start3A_52] : memref<32x2x128xi32, #tpu.memory_space<hbm>> -> memref<1x2x128xi32, #tpu.memory_space<hbm>>
      %dma_start3A_54 = tpu.memref_squeeze %dma_start3A_53 : memref<1x2x128xi32, #tpu.memory_space<hbm>> -> memref<2x128xi32, #tpu.memory_space<hbm>>
      tpu.enqueue_dma source(%dma_start3A_54 : memref<2x128xi32, #tpu.memory_space<hbm>>) target(%arg5 : memref<2x128xi32, #tpu.memory_space<vmem>>) target_semaphore(%run_scoped3A : memref<!tpu.dma_semaphore, #tpu.memory_space<semaphore_mem>>)
      %dma_wait3A_55 = arith.constant 0 : i32
      %dma_wait3A_56 = arith.constant 0 : i32
      %dma_wait3A_57 = tpu.memref_slice %arg3[%add3A, %dma_wait3A_55, %dma_wait3A_56] : memref<32x2x128xi32, #tpu.memory_space<hbm>> -> memref<1x2x128xi32, #tpu.memory_space<hbm>>
      %dma_wait3A_58 = tpu.memref_squeeze %dma_wait3A_57 : memref<1x2x128xi32, #tpu.memory_space<hbm>> -> memref<2x128xi32, #tpu.memory_space<hbm>>
      %dma_wait3A_59 = arith.constant 0 : i32
      %dma_wait3A_60 = arith.constant 0 : i32
      %dma_wait3A_61 = tpu.memref_slice %arg3[%add3A, %dma_wait3A_59, %dma_wait3A_60] : memref<32x2x128xi32, #tpu.memory_space<hbm>> -> memref<1x2x128xi32, #tpu.memory_space<hbm>>
      %dma_wait3A_62 = tpu.memref_squeeze %dma_wait3A_61 : memref<1x2x128xi32, #tpu.memory_space<hbm>> -> memref<2x128xi32, #tpu.memory_space<hbm>>
      tpu.wait_dma2 semaphore(%run_scoped3A : memref<!tpu.dma_semaphore, #tpu.memory_space<semaphore_mem>>) src(%dma_wait3A_62 : memref<2x128xi32, #tpu.memory_space<hbm>>) dst(%arg5 : memref<2x128xi32, #tpu.memory_space<vmem>>)
      tpu.yield
    }) : () -> ()
    %dma_start3A = arith.constant 0 : i32
    %dma_start3A_1 = arith.constant 0 : i32
    %dma_start3A_2 = arith.constant 0 : i32
    %dma_start3A_3 = arith.constant 0 : i32
    %dma_start3A_4 = tpu.memref_slice %arg6[%dma_start3A_1, %dma_start3A_2, %dma_start3A_3] : memref<2x128x128xf32, #tpu.memory_space<vmem>> -> memref<1x128x128xf32, #tpu.memory_space<vmem>>
    %dma_start3A_5 = tpu.memref_squeeze %dma_start3A_4 : memref<1x128x128xf32, #tpu.memory_space<vmem>> -> memref<128x128xf32, #tpu.memory_space<vmem>>
    %dma_start3A_6 = arith.constant 0 : i32
    %dma_start3A_7 = tpu.memref_slice %arg5[%dma_start3A, %dma_start3A_6] : memref<2x128xi32, #tpu.memory_space<vmem>> -> memref<1x128xi32, #tpu.memory_space<vmem>>
    %dma_start3A_8 = tpu.memref_squeeze %dma_start3A_7 : memref<1x128xi32, #tpu.memory_space<vmem>> -> memref<128xi32, #tpu.memory_space<vmem>>
    %dma_start3A_9 = arith.constant 0 : i32
    %dma_start3A_10 = arith.constant 0 : i32
    %dma_start3A_11 = tpu.memref_slice %arg2[%dma_start3A_9, %dma_start3A_10] : memref<8192x128xf32, #tpu.memory_space<hbm>> -> memref<8192x128xf32, #tpu.memory_space<hbm>>
    tpu.enqueue_indirect_dma source(%dma_start3A_11 : memref<8192x128xf32, #tpu.memory_space<hbm>>) target(%dma_start3A_5 : memref<128x128xf32, #tpu.memory_space<vmem>>) offsets(%dma_start3A_8 : memref<128xi32, #tpu.memory_space<vmem>>) semaphore(%arg7 : memref<!tpu.dma_semaphore, #tpu.memory_space<semaphore_mem>>)
    %dma_start3A_12 = arith.constant 1 : i32
    %dma_start3A_13 = arith.constant 1 : i32
    %dma_start3A_14 = arith.constant 0 : i32
    %dma_start3A_15 = arith.constant 0 : i32
    %dma_start3A_16 = tpu.memref_slice %arg6[%dma_start3A_13, %dma_start3A_14, %dma_start3A_15] : memref<2x128x128xf32, #tpu.memory_space<vmem>> -> memref<1x128x128xf32, #tpu.memory_space<vmem>>
    %dma_start3A_17 = tpu.memref_squeeze %dma_start3A_16 : memref<1x128x128xf32, #tpu.memory_space<vmem>> -> memref<128x128xf32, #tpu.memory_space<vmem>>
    %dma_start3A_18 = arith.constant 0 : i32
    %dma_start3A_19 = tpu.memref_slice %arg5[%dma_start3A_12, %dma_start3A_18] : memref<2x128xi32, #tpu.memory_space<vmem>> -> memref<1x128xi32, #tpu.memory_space<vmem>>
    %dma_start3A_20 = tpu.memref_squeeze %dma_start3A_19 : memref<1x128xi32, #tpu.memory_space<vmem>> -> memref<128xi32, #tpu.memory_space<vmem>>
    %dma_start3A_21 = arith.constant 0 : i32
    %dma_start3A_22 = arith.constant 0 : i32
    %dma_start3A_23 = tpu.memref_slice %arg2[%dma_start3A_21, %dma_start3A_22] : memref<8192x128xf32, #tpu.memory_space<hbm>> -> memref<8192x128xf32, #tpu.memory_space<hbm>>
    tpu.enqueue_indirect_dma source(%dma_start3A_23 : memref<8192x128xf32, #tpu.memory_space<hbm>>) target(%dma_start3A_17 : memref<128x128xf32, #tpu.memory_space<vmem>>) offsets(%dma_start3A_20 : memref<128xi32, #tpu.memory_space<vmem>>) semaphore(%arg7 : memref<!tpu.dma_semaphore, #tpu.memory_space<semaphore_mem>>)
    %dma_wait3A = arith.constant 0 : i32
    %dma_wait3A_24 = arith.constant 0 : i32
    %dma_wait3A_25 = arith.constant 0 : i32
    %dma_wait3A_26 = arith.constant 0 : i32
    %dma_wait3A_27 = tpu.memref_slice %arg6[%dma_wait3A_24, %dma_wait3A_25, %dma_wait3A_26] : memref<2x128x128xf32, #tpu.memory_space<vmem>> -> memref<1x128x128xf32, #tpu.memory_space<vmem>>
    %dma_wait3A_28 = tpu.memref_squeeze %dma_wait3A_27 : memref<1x128x128xf32, #tpu.memory_space<vmem>> -> memref<128x128xf32, #tpu.memory_space<vmem>>
    %dma_wait3A_29 = arith.constant 0 : i32
    %dma_wait3A_30 = tpu.memref_slice %arg5[%dma_wait3A, %dma_wait3A_29] : memref<2x128xi32, #tpu.memory_space<vmem>> -> memref<1x128xi32, #tpu.memory_space<vmem>>
    %dma_wait3A_31 = tpu.memref_squeeze %dma_wait3A_30 : memref<1x128xi32, #tpu.memory_space<vmem>> -> memref<128xi32, #tpu.memory_space<vmem>>
    %dma_wait3A_32 = arith.constant 0 : i32
    %dma_wait3A_33 = arith.constant 0 : i32
    %dma_wait3A_34 = tpu.memref_slice %arg2[%dma_wait3A_32, %dma_wait3A_33] : memref<8192x128xf32, #tpu.memory_space<hbm>> -> memref<8192x128xf32, #tpu.memory_space<hbm>>
    tpu.wait_indirect_dma semaphore(%arg7 : memref<!tpu.dma_semaphore, #tpu.memory_space<semaphore_mem>>) src(%dma_wait3A_34 : memref<8192x128xf32, #tpu.memory_space<hbm>>) dst(%dma_wait3A_28 : memref<128x128xf32, #tpu.memory_space<vmem>>)
    %dma_wait3A_35 = arith.constant 1 : i32
    %dma_wait3A_36 = arith.constant 1 : i32
    %dma_wait3A_37 = arith.constant 0 : i32
    %dma_wait3A_38 = arith.constant 0 : i32
    %dma_wait3A_39 = tpu.memref_slice %arg6[%dma_wait3A_36, %dma_wait3A_37, %dma_wait3A_38] : memref<2x128x128xf32, #tpu.memory_space<vmem>> -> memref<1x128x128xf32, #tpu.memory_space<vmem>>
    %dma_wait3A_40 = tpu.memref_squeeze %dma_wait3A_39 : memref<1x128x128xf32, #tpu.memory_space<vmem>> -> memref<128x128xf32, #tpu.memory_space<vmem>>
    %dma_wait3A_41 = arith.constant 0 : i32
    %dma_wait3A_42 = tpu.memref_slice %arg5[%dma_wait3A_35, %dma_wait3A_41] : memref<2x128xi32, #tpu.memory_space<vmem>> -> memref<1x128xi32, #tpu.memory_space<vmem>>
    %dma_wait3A_43 = tpu.memref_squeeze %dma_wait3A_42 : memref<1x128xi32, #tpu.memory_space<vmem>> -> memref<128xi32, #tpu.memory_space<vmem>>
    %dma_wait3A_44 = arith.constant 0 : i32
    %dma_wait3A_45 = arith.constant 0 : i32
    %dma_wait3A_46 = tpu.memref_slice %arg2[%dma_wait3A_44, %dma_wait3A_45] : memref<8192x128xf32, #tpu.memory_space<hbm>> -> memref<8192x128xf32, #tpu.memory_space<hbm>>
    tpu.wait_indirect_dma semaphore(%arg7 : memref<!tpu.dma_semaphore, #tpu.memory_space<semaphore_mem>>) src(%dma_wait3A_46 : memref<8192x128xf32, #tpu.memory_space<hbm>>) dst(%dma_wait3A_40 : memref<128x128xf32, #tpu.memory_space<vmem>>)
    "tpu.region"() ({
      %run_scoped3A = tpu.sem_alloc : memref<!tpu.dma_semaphore, #tpu.memory_space<semaphore_mem>>
      %dma_start3A_47 = arith.constant 0 : i32
      %dma_start3A_48 = arith.constant 0 : i32
      %dma_start3A_49 = arith.constant 0 : i32
      %dma_start3A_50 = tpu.memref_slice %arg4[%add3A, %dma_start3A_47, %dma_start3A_48, %dma_start3A_49] : memref<32x2x128x128xf32, #tpu.memory_space<hbm>> -> memref<1x2x128x128xf32, #tpu.memory_space<hbm>>
      %dma_start3A_51 = tpu.memref_squeeze %dma_start3A_50 : memref<1x2x128x128xf32, #tpu.memory_space<hbm>> -> memref<2x128x128xf32, #tpu.memory_space<hbm>>
      %dma_start3A_52 = arith.constant 0 : i32
      %dma_start3A_53 = arith.constant 0 : i32
      %dma_start3A_54 = arith.constant 0 : i32
      %dma_start3A_55 = tpu.memref_slice %arg4[%add3A, %dma_start3A_52, %dma_start3A_53, %dma_start3A_54] : memref<32x2x128x128xf32, #tpu.memory_space<hbm>> -> memref<1x2x128x128xf32, #tpu.memory_space<hbm>>
      %dma_start3A_56 = tpu.memref_squeeze %dma_start3A_55 : memref<1x2x128x128xf32, #tpu.memory_space<hbm>> -> memref<2x128x128xf32, #tpu.memory_space<hbm>>
      tpu.enqueue_dma source(%arg6 : memref<2x128x128xf32, #tpu.memory_space<vmem>>) target(%dma_start3A_56 : memref<2x128x128xf32, #tpu.memory_space<hbm>>) target_semaphore(%run_scoped3A : memref<!tpu.dma_semaphore, #tpu.memory_space<semaphore_mem>>)
      %dma_wait3A_57 = arith.constant 0 : i32
      %dma_wait3A_58 = arith.constant 0 : i32
      %dma_wait3A_59 = arith.constant 0 : i32
      %dma_wait3A_60 = tpu.memref_slice %arg4[%add3A, %dma_wait3A_57, %dma_wait3A_58, %dma_wait3A_59] : memref<32x2x128x128xf32, #tpu.memory_space<hbm>> -> memref<1x2x128x128xf32, #tpu.memory_space<hbm>>
      %dma_wait3A_61 = tpu.memref_squeeze %dma_wait3A_60 : memref<1x2x128x128xf32, #tpu.memory_space<hbm>> -> memref<2x128x128xf32, #tpu.memory_space<hbm>>
      %dma_wait3A_62 = arith.constant 0 : i32
      %dma_wait3A_63 = arith.constant 0 : i32
      %dma_wait3A_64 = arith.constant 0 : i32
      %dma_wait3A_65 = tpu.memref_slice %arg4[%add3A, %dma_wait3A_62, %dma_wait3A_63, %dma_wait3A_64] : memref<32x2x128x128xf32, #tpu.memory_space<hbm>> -> memref<1x2x128x128xf32, #tpu.memory_space<hbm>>
      %dma_wait3A_66 = tpu.memref_squeeze %dma_wait3A_65 : memref<1x2x128x128xf32, #tpu.memory_space<hbm>> -> memref<2x128x128xf32, #tpu.memory_space<hbm>>
      tpu.wait_dma2 semaphore(%run_scoped3A : memref<!tpu.dma_semaphore, #tpu.memory_space<semaphore_mem>>) src(%arg6 : memref<2x128x128xf32, #tpu.memory_space<vmem>>) dst(%dma_wait3A_66 : memref<2x128x128xf32, #tpu.memory_space<hbm>>)
      tpu.yield
    }) : () -> ()
    return
  }
}

module attributes {stable_mosaic.version = 14 : i64} {
  func.func @_dist_argmin_kernel(%arg0: i32, %arg1: memref<1024x32xf32, #tpu.memory_space<vmem>>, %arg2: memref<1024x1xf32, #tpu.memory_space<vmem>>, %arg3: memref<8192x32xf32, #tpu.memory_space<vmem>>, %arg4: memref<1x1x1024xi32, #tpu.memory_space<vmem>>, %arg5: memref<1x8192xf32, #tpu.memory_space<vmem>>, %arg6: memref<8192x128xf32, #tpu.memory_space<vmem>>, %arg7: memref<1x8192xf32, #tpu.memory_space<vmem>>, %arg8: memref<8192x32xf32, #tpu.memory_space<vmem>>) attributes {dimension_semantics = [#tpu.dimension_semantics<arbitrary>], iteration_bounds = array<i64: 8>, scalar_prefetch = 0 : i64, scratch_operands = 2 : i64, tpu.core_type = #tpu.core_type<tc>, window_params = [{transform_indices = @transform_0, window_bounds = array<i64: 1024, 32>}, {transform_indices = @transform_1, window_bounds = array<i64: 1024, 1>}, {pipeline_mode = #tpu.pipeline_mode<synchronous>, transform_indices = @transform_2, window_bounds = array<i64: 8192, 32>}, {transform_indices = @transform_3, window_bounds = array<i64: 1, 1, 1024>}, {pipeline_mode = #tpu.pipeline_mode<synchronous>, transform_indices = @transform_4, window_bounds = array<i64: 1, 8192>}, {pipeline_mode = #tpu.pipeline_mode<synchronous>, transform_indices = @transform_5, window_bounds = array<i64: 8192, 128>}]} {
    %eq3A = arith.constant 0 : i32
    %eq3A_0 = arith.cmpi eq, %arg0, %eq3A : i32
    %convert_element_type3A = arith.extui %eq3A_0 : i1 to i32
    %cond3A = arith.constant 0 : i32
    %cond3A_1 = arith.cmpi ne, %convert_element_type3A, %cond3A : i32
    scf.if %cond3A_1 {
      %get3A_115 = arith.constant 0 : index
      %get3A_116 = arith.constant 0 : index
      %get3A_117 = vector.load %arg3[%get3A_115, %get3A_116] : memref<8192x32xf32, #tpu.memory_space<vmem>>, vector<8192x32xf32>
      %mul3A = arith.mulf %get3A_117, %get3A_117 : vector<8192x32xf32>
      %reduce_sum3A_118 = arith.constant dense<0.000000e+00> : vector<8192xf32>
      %reduce_sum3A_119 = vector.multi_reduction <add>, %mul3A, %reduce_sum3A_118 [1] : vector<8192x32xf32> to vector<8192xf32>
      %reshape3A_120 = vector.shape_cast %reduce_sum3A_119 : vector<8192xf32> to vector<1x8192xf32>
      %swap3A_121 = arith.constant 0 : index
      %swap3A_122 = arith.constant 0 : index
      %swap3A_123 = vector.load %arg7[%swap3A_121, %swap3A_122] : memref<1x8192xf32, #tpu.memory_space<vmem>>, vector<1x8192xf32>
      tpu.vector_store %arg7[%swap3A_121, %swap3A_122], %reshape3A_120 {strides = array<i32>} : memref<1x8192xf32, #tpu.memory_space<vmem>>, vector<1x8192xf32>,
      %add3A_124 = arith.addf %get3A_117, %get3A_117 : vector<8192x32xf32>
      %swap3A_125 = arith.constant 0 : index
      %swap3A_126 = arith.constant 0 : index
      %swap3A_127 = vector.load %arg8[%swap3A_125, %swap3A_126] : memref<8192x32xf32, #tpu.memory_space<vmem>>, vector<8192x32xf32>
      tpu.vector_store %arg8[%swap3A_125, %swap3A_126], %add3A_124 {strides = array<i32>} : memref<8192x32xf32, #tpu.memory_space<vmem>>, vector<8192x32xf32>,
      %broadcast_in_dim3A_128 = arith.constant 0.000000e+00 : f32
      %broadcast_in_dim3A_129 = vector.broadcast %broadcast_in_dim3A_128 : f32 to vector<8192x96xf32>
      %concatenate3A = tpu.concatenate %get3A_117, %broadcast_in_dim3A_129 in 1 : vector<8192x32xf32>, vector<8192x96xf32> -> vector<8192x128xf32>
      %swap3A_130 = arith.constant 0 : index
      %swap3A_131 = arith.constant 0 : index
      %swap3A_132 = vector.load %arg6[%swap3A_130, %swap3A_131] : memref<8192x128xf32, #tpu.memory_space<vmem>>, vector<8192x128xf32>
      tpu.vector_store %arg6[%swap3A_130, %swap3A_131], %concatenate3A {strides = array<i32>} : memref<8192x128xf32, #tpu.memory_space<vmem>>, vector<8192x128xf32>,
    } else {
    }
    %get3A = arith.constant 0 : index
    %get3A_2 = arith.constant 0 : index
    %get3A_3 = vector.load %arg1[%get3A, %get3A_2] : memref<1024x32xf32, #tpu.memory_space<vmem>>, vector<1024x32xf32>
    %get3A_4 = arith.constant 0 : index
    %get3A_5 = arith.constant 0 : index
    %get3A_6 = vector.load %arg2[%get3A_4, %get3A_5] : memref<1024x1xf32, #tpu.memory_space<vmem>>, vector<1024x1xf32>
    %get3A_7 = arith.constant 0 : index
    %get3A_8 = arith.constant 0 : index
    %get3A_9 = vector.load %arg7[%get3A_7, %get3A_8] : memref<1x8192xf32, #tpu.memory_space<vmem>>, vector<1x8192xf32>
    %convert_element_type3A_10 = arith.truncf %get3A_3 : vector<1024x32xf32> to vector<1024x32xbf16>
    %convert_element_type3A_11 = arith.extf %convert_element_type3A_10 : vector<1024x32xbf16> to vector<1024x32xf32>
    %get3A_12 = arith.constant 0 : index
    %get3A_13 = arith.constant 0 : index
    %get3A_14 = vector.load %arg8[%get3A_12, %get3A_13] : memref<8192x32xf32, #tpu.memory_space<vmem>>, vector<8192x32xf32>
    %dot_general3A = arith.constant dense<0.000000e+00> : vector<1024x8192xf32>
    %dot_general3A_15 = tpu.matmul %convert_element_type3A_11, %get3A_14, %dot_general3A {dimension_numbers = #tpu.dot_dimension_numbers<[1], [1], [0], [0], [0, 0, 1, 0], [], []>, transpose_lhs_hint = false} : vector<1024x32xf32>, vector<8192x32xf32>, vector<1024x8192xf32> -> vector<1024x8192xf32>
    %add3A = vector.broadcast %get3A_6 : vector<1024x1xf32> to vector<1024x8192xf32>
    %add3A_16 = vector.broadcast %get3A_9 : vector<1x8192xf32> to vector<1024x8192xf32>
    %add3A_17 = arith.addf %add3A, %add3A_16 : vector<1024x8192xf32>
    %sub3A = arith.subf %add3A_17, %dot_general3A_15 : vector<1024x8192xf32>
    %broadcast_in_dim3A = arith.constant 0x7F800000 : f32
    %broadcast_in_dim3A_18 = vector.broadcast %broadcast_in_dim3A : f32 to vector<1024xf32>
    %broadcast_in_dim3A_19 = arith.constant 0 : i32
    %broadcast_in_dim3A_20 = vector.broadcast %broadcast_in_dim3A_19 : i32 to vector<1024xi32>
    %slice3A = vector.extract_strided_slice %sub3A {offsets = [0, 0], sizes = [1024, 2048], strides = [1, 1]} : vector<1024x8192xf32> to vector<1024x2048xf32>
    %reduce_min3A = arith.constant dense<0x7F800000> : vector<1024xf32>
    %reduce_min3A_21 = vector.multi_reduction <minimumf>, %slice3A, %reduce_min3A [1] : vector<1024x2048xf32> to vector<1024xf32>
    %iota3A = tpu.iota {dimensions = array<i32: 1>} : vector<1024x2048xi32>
    %broadcast_in_dim3A_22 = vector.shape_cast %reduce_min3A_21 : vector<1024xf32> to vector<1024x1xf32>
    %eq3A_23 = vector.broadcast %broadcast_in_dim3A_22 : vector<1024x1xf32> to vector<1024x2048xf32>
    %eq3A_24 = arith.cmpf oeq, %slice3A, %eq3A_23 : vector<1024x2048xf32>
    %jit3A = arith.constant 2048 : i32
    %broadcast_in_dim3A_25 = vector.broadcast %jit3A : i32 to vector<1024x2048xi32>
    %select_n3A = arith.select %eq3A_24, %iota3A, %broadcast_in_dim3A_25 : vector<1024x2048xi1>, vector<1024x2048xi32>
    %reduce_min3A_26 = arith.constant dense<2147483647> : vector<1024xi32>
    %reduce_min3A_27 = vector.multi_reduction <minsi>, %select_n3A, %reduce_min3A_26 [1] : vector<1024x2048xi32> to vector<1024xi32>
    %add3A_28 = arith.constant 0 : i32
    %add3A_29 = vector.broadcast %add3A_28 : i32 to vector<1024xi32>
    %add3A_30 = arith.addi %reduce_min3A_27, %add3A_29 : vector<1024xi32>
    %lt3A = arith.cmpf olt, %reduce_min3A_21, %broadcast_in_dim3A_18 : vector<1024xf32>
    %select_n3A_31 = arith.select %lt3A, %add3A_30, %broadcast_in_dim3A_20 : vector<1024xi1>, vector<1024xi32>
    %select_n3A_32 = arith.select %lt3A, %reduce_min3A_21, %broadcast_in_dim3A_18 : vector<1024xi1>, vector<1024xf32>
    %convert_element_type3A_33 = arith.truncf %select_n3A_32 : vector<1024xf32> to vector<1024xbf16>
    %convert_element_type3A_34 = arith.extf %convert_element_type3A_33 : vector<1024xbf16> to vector<1024xf32>
    %slice3A_35 = vector.extract_strided_slice %sub3A {offsets = [0, 2048], sizes = [1024, 2048], strides = [1, 1]} : vector<1024x8192xf32> to vector<1024x2048xf32>
    %reduce_min3A_36 = arith.constant dense<0x7F800000> : vector<1024xf32>
    %reduce_min3A_37 = vector.multi_reduction <minimumf>, %slice3A_35, %reduce_min3A_36 [1] : vector<1024x2048xf32> to vector<1024xf32>
    %iota3A_38 = tpu.iota {dimensions = array<i32: 1>} : vector<1024x2048xi32>
    %broadcast_in_dim3A_39 = vector.shape_cast %reduce_min3A_37 : vector<1024xf32> to vector<1024x1xf32>
    %eq3A_40 = vector.broadcast %broadcast_in_dim3A_39 : vector<1024x1xf32> to vector<1024x2048xf32>
    %eq3A_41 = arith.cmpf oeq, %slice3A_35, %eq3A_40 : vector<1024x2048xf32>
    %jit3A_42 = arith.constant 2048 : i32
    %broadcast_in_dim3A_43 = vector.broadcast %jit3A_42 : i32 to vector<1024x2048xi32>
    %select_n3A_44 = arith.select %eq3A_41, %iota3A_38, %broadcast_in_dim3A_43 : vector<1024x2048xi1>, vector<1024x2048xi32>
    %reduce_min3A_45 = arith.constant dense<2147483647> : vector<1024xi32>
    %reduce_min3A_46 = vector.multi_reduction <minsi>, %select_n3A_44, %reduce_min3A_45 [1] : vector<1024x2048xi32> to vector<1024xi32>
    %add3A_47 = arith.constant 2048 : i32
    %add3A_48 = vector.broadcast %add3A_47 : i32 to vector<1024xi32>
    %add3A_49 = arith.addi %reduce_min3A_46, %add3A_48 : vector<1024xi32>
    %lt3A_50 = arith.cmpf olt, %reduce_min3A_37, %convert_element_type3A_34 : vector<1024xf32>
    %select_n3A_51 = arith.select %lt3A_50, %add3A_49, %select_n3A_31 : vector<1024xi1>, vector<1024xi32>
    %select_n3A_52 = arith.select %lt3A_50, %reduce_min3A_37, %convert_element_type3A_34 : vector<1024xi1>, vector<1024xf32>
    %convert_element_type3A_53 = arith.truncf %select_n3A_52 : vector<1024xf32> to vector<1024xbf16>
    %convert_element_type3A_54 = arith.extf %convert_element_type3A_53 : vector<1024xbf16> to vector<1024xf32>
    %slice3A_55 = vector.extract_strided_slice %sub3A {offsets = [0, 4096], sizes = [1024, 2048], strides = [1, 1]} : vector<1024x8192xf32> to vector<1024x2048xf32>
    %reduce_min3A_56 = arith.constant dense<0x7F800000> : vector<1024xf32>
    %reduce_min3A_57 = vector.multi_reduction <minimumf>, %slice3A_55, %reduce_min3A_56 [1] : vector<1024x2048xf32> to vector<1024xf32>
    %iota3A_58 = tpu.iota {dimensions = array<i32: 1>} : vector<1024x2048xi32>
    %broadcast_in_dim3A_59 = vector.shape_cast %reduce_min3A_57 : vector<1024xf32> to vector<1024x1xf32>
    %eq3A_60 = vector.broadcast %broadcast_in_dim3A_59 : vector<1024x1xf32> to vector<1024x2048xf32>
    %eq3A_61 = arith.cmpf oeq, %slice3A_55, %eq3A_60 : vector<1024x2048xf32>
    %jit3A_62 = arith.constant 2048 : i32
    %broadcast_in_dim3A_63 = vector.broadcast %jit3A_62 : i32 to vector<1024x2048xi32>
    %select_n3A_64 = arith.select %eq3A_61, %iota3A_58, %broadcast_in_dim3A_63 : vector<1024x2048xi1>, vector<1024x2048xi32>
    %reduce_min3A_65 = arith.constant dense<2147483647> : vector<1024xi32>
    %reduce_min3A_66 = vector.multi_reduction <minsi>, %select_n3A_64, %reduce_min3A_65 [1] : vector<1024x2048xi32> to vector<1024xi32>
    %add3A_67 = arith.constant 4096 : i32
    %add3A_68 = vector.broadcast %add3A_67 : i32 to vector<1024xi32>
    %add3A_69 = arith.addi %reduce_min3A_66, %add3A_68 : vector<1024xi32>
    %lt3A_70 = arith.cmpf olt, %reduce_min3A_57, %convert_element_type3A_54 : vector<1024xf32>
    %select_n3A_71 = arith.select %lt3A_70, %add3A_69, %select_n3A_51 : vector<1024xi1>, vector<1024xi32>
    %select_n3A_72 = arith.select %lt3A_70, %reduce_min3A_57, %convert_element_type3A_54 : vector<1024xi1>, vector<1024xf32>
    %convert_element_type3A_73 = arith.truncf %select_n3A_72 : vector<1024xf32> to vector<1024xbf16>
    %convert_element_type3A_74 = arith.extf %convert_element_type3A_73 : vector<1024xbf16> to vector<1024xf32>
    %slice3A_75 = vector.extract_strided_slice %sub3A {offsets = [0, 6144], sizes = [1024, 2048], strides = [1, 1]} : vector<1024x8192xf32> to vector<1024x2048xf32>
    %reduce_min3A_76 = arith.constant dense<0x7F800000> : vector<1024xf32>
    %reduce_min3A_77 = vector.multi_reduction <minimumf>, %slice3A_75, %reduce_min3A_76 [1] : vector<1024x2048xf32> to vector<1024xf32>
    %iota3A_78 = tpu.iota {dimensions = array<i32: 1>} : vector<1024x2048xi32>
    %broadcast_in_dim3A_79 = vector.shape_cast %reduce_min3A_77 : vector<1024xf32> to vector<1024x1xf32>
    %eq3A_80 = vector.broadcast %broadcast_in_dim3A_79 : vector<1024x1xf32> to vector<1024x2048xf32>
    %eq3A_81 = arith.cmpf oeq, %slice3A_75, %eq3A_80 : vector<1024x2048xf32>
    %jit3A_82 = arith.constant 2048 : i32
    %broadcast_in_dim3A_83 = vector.broadcast %jit3A_82 : i32 to vector<1024x2048xi32>
    %select_n3A_84 = arith.select %eq3A_81, %iota3A_78, %broadcast_in_dim3A_83 : vector<1024x2048xi1>, vector<1024x2048xi32>
    %reduce_min3A_85 = arith.constant dense<2147483647> : vector<1024xi32>
    %reduce_min3A_86 = vector.multi_reduction <minsi>, %select_n3A_84, %reduce_min3A_85 [1] : vector<1024x2048xi32> to vector<1024xi32>
    %add3A_87 = arith.constant 6144 : i32
    %add3A_88 = vector.broadcast %add3A_87 : i32 to vector<1024xi32>
    %add3A_89 = arith.addi %reduce_min3A_86, %add3A_88 : vector<1024xi32>
    %lt3A_90 = arith.cmpf olt, %reduce_min3A_77, %convert_element_type3A_74 : vector<1024xf32>
    %select_n3A_91 = arith.select %lt3A_90, %add3A_89, %select_n3A_71 : vector<1024xi1>, vector<1024xi32>
    %reshape3A = vector.shape_cast %select_n3A_91 : vector<1024xi32> to vector<1x1x1024xi32>
    %swap3A = arith.constant 0 : index
    %swap3A_92 = arith.constant 0 : index
    %swap3A_93 = arith.constant 0 : index
    %swap3A_94 = vector.load %arg4[%swap3A, %swap3A_92, %swap3A_93] : memref<1x1x1024xi32, #tpu.memory_space<vmem>>, vector<1x1x1024xi32>
    tpu.vector_store %arg4[%swap3A, %swap3A_92, %swap3A_93], %reshape3A {strides = array<i32>} : memref<1x1x1024xi32, #tpu.memory_space<vmem>>, vector<1x1x1024xi32>,
    %eq3A_95 = arith.constant 0 : i32
    %eq3A_96 = arith.cmpi eq, %arg0, %eq3A_95 : i32
    %convert_element_type3A_97 = arith.extui %eq3A_96 : i1 to i32
    %cond3A_98 = arith.constant 0 : i32
    %cond3A_99 = arith.cmpi ne, %convert_element_type3A_97, %cond3A_98 : i32
    scf.if %cond3A_99 {
      %broadcast_in_dim3A_115 = arith.constant 0.000000e+00 : f32
      %broadcast_in_dim3A_116 = vector.broadcast %broadcast_in_dim3A_115 : f32 to vector<1x8192xf32>
      %swap3A_117 = arith.constant 0 : index
      %swap3A_118 = arith.constant 0 : index
      %swap3A_119 = vector.load %arg5[%swap3A_117, %swap3A_118] : memref<1x8192xf32, #tpu.memory_space<vmem>>, vector<1x8192xf32>
      tpu.vector_store %arg5[%swap3A_117, %swap3A_118], %broadcast_in_dim3A_116 {strides = array<i32>} : memref<1x8192xf32, #tpu.memory_space<vmem>>, vector<1x8192xf32>,
    } else {
    }
    %iota3A_100 = tpu.iota {dimensions = array<i32: 1>} : vector<1024x8192xi32>
    %get3A_101 = arith.constant 0 : index
    %get3A_102 = arith.constant 0 : index
    %get3A_103 = vector.load %arg5[%get3A_101, %get3A_102] : memref<1x8192xf32, #tpu.memory_space<vmem>>, vector<1x8192xf32>
    %broadcast_in_dim3A_104 = vector.shape_cast %select_n3A_91 : vector<1024xi32> to vector<1024x1xi32>
    %eq3A_105 = vector.broadcast %broadcast_in_dim3A_104 : vector<1024x1xi32> to vector<1024x8192xi32>
    %eq3A_106 = arith.cmpi eq, %eq3A_105, %iota3A_100 : vector<1024x8192xi32>
    %convert_element_type3A_107 = arith.extui %eq3A_106 : vector<1024x8192xi1> to vector<1024x8192xi32>
    %convert_element_type3A_108 = arith.sitofp %convert_element_type3A_107 : vector<1024x8192xi32> to vector<1024x8192xf32>
    %reduce_sum3A = arith.constant dense<0.000000e+00> : vector<8192xf32>
    %reduce_sum3A_109 = vector.multi_reduction <add>, %convert_element_type3A_108, %reduce_sum3A [0] : vector<1024x8192xf32> to vector<8192xf32>
    %broadcast_in_dim3A_110 = vector.shape_cast %reduce_sum3A_109 : vector<8192xf32> to vector<1x8192xf32>
    %add3A_111 = arith.addf %get3A_103, %broadcast_in_dim3A_110 : vector<1x8192xf32>
    %swap3A_112 = arith.constant 0 : index
    %swap3A_113 = arith.constant 0 : index
    %swap3A_114 = vector.load %arg5[%swap3A_112, %swap3A_113] : memref<1x8192xf32, #tpu.memory_space<vmem>>, vector<1x8192xf32>
    tpu.vector_store %arg5[%swap3A_112, %swap3A_113], %add3A_111 {strides = array<i32>} : memref<1x8192xf32, #tpu.memory_space<vmem>>, vector<1x8192xf32>,
    return
  }
  func.func @transform_0(%arg0: i32) -> (i32, i32) {
    %c0_i32 = arith.constant 0 : i32
    %c0_i32_0 = arith.constant 0 : i32
    return %arg0, %c0_i32 : i32, i32
  }
  func.func @transform_1(%arg0: i32) -> (i32, i32) {
    %c0_i32 = arith.constant 0 : i32
    %c0_i32_0 = arith.constant 0 : i32
    return %arg0, %c0_i32 : i32, i32
  }
  func.func @transform_2(%arg0: i32) -> (i32, i32) {
    %c0_i32 = arith.constant 0 : i32
    %c0_i32_0 = arith.constant 0 : i32
    %c0_i32_1 = arith.constant 0 : i32
    return %c0_i32, %c0_i32_0 : i32, i32
  }
  func.func @transform_3(%arg0: i32) -> (i32, i32, i32) {
    %c0_i32 = arith.constant 0 : i32
    %c0_i32_0 = arith.constant 0 : i32
    %c0_i32_1 = arith.constant 0 : i32
    return %arg0, %c0_i32, %c0_i32_0 : i32, i32, i32
  }
  func.func @transform_4(%arg0: i32) -> (i32, i32) {
    %c0_i32 = arith.constant 0 : i32
    %c0_i32_0 = arith.constant 0 : i32
    %c0_i32_1 = arith.constant 0 : i32
    return %c0_i32, %c0_i32_0 : i32, i32
  }
  func.func @transform_5(%arg0: i32) -> (i32, i32) {
    %c0_i32 = arith.constant 0 : i32
    %c0_i32_0 = arith.constant 0 : i32
    %c0_i32_1 = arith.constant 0 : i32
    return %c0_i32, %c0_i32_0 : i32, i32
  }
}

module attributes {stable_mosaic.version = 14 : i64} {
  func.func @_scalars_kernel(%arg0: memref<8192x32xf32, #tpu.memory_space<vmem>>, %arg1: memref<8192x32xf32, #tpu.memory_space<vmem>>, %arg2: memref<1x8192xf32, #tpu.memory_space<vmem>>, %arg3: memref<1x1xf32, #tpu.memory_space<vmem>>, %arg4: memref<1x1xf32, #tpu.memory_space<vmem>>, %arg5: memref<1x1xf32, #tpu.memory_space<vmem>>, %arg6: memref<1x1xf32, #tpu.memory_space<vmem>>) attributes {dimension_semantics = [], scalar_prefetch = 0 : i64, scratch_operands = 0 : i64, tpu.core_type = #tpu.core_type<tc>} {
    %get3A = arith.constant 0 : index
    %get3A_0 = arith.constant 0 : index
    %get3A_1 = vector.load %arg1[%get3A, %get3A_0] : memref<8192x32xf32, #tpu.memory_space<vmem>>, vector<8192x32xf32>
    %get3A_2 = arith.constant 0 : index
    %get3A_3 = arith.constant 0 : index
    %get3A_4 = vector.load %arg0[%get3A_2, %get3A_3] : memref<8192x32xf32, #tpu.memory_space<vmem>>, vector<8192x32xf32>
    %sub3A = arith.subf %get3A_1, %get3A_4 : vector<8192x32xf32>
    %mul3A = arith.mulf %sub3A, %sub3A : vector<8192x32xf32>
    %reduce_sum3A = vector.shape_cast %mul3A : vector<8192x32xf32> to vector<1x8192x32xf32>
    %reduce_sum3A_5 = arith.constant dense<0.000000e+00> : vector<1xf32>
    %reduce_sum3A_6 = vector.multi_reduction <add>, %reduce_sum3A, %reduce_sum3A_5 [1, 2] : vector<1x8192x32xf32> to vector<1xf32>
    %reduce_sum3A_7 = vector.shape_cast %reduce_sum3A_6 : vector<1xf32> to vector<1x1x1xf32>
    %reduce_sum3A_8 = vector.extract %reduce_sum3A_7[0, 0, 0] : f32 from vector<1x1x1xf32>
    %get3A_9 = arith.constant 0 : index
    %get3A_10 = arith.constant 0 : index
    %get3A_11 = vector.load %arg2[%get3A_9, %get3A_10] : memref<1x8192xf32, #tpu.memory_space<vmem>>, vector<1x8192xf32>
    %reshape3A = vector.shape_cast %get3A_11 : vector<1x8192xf32> to vector<8192xf32>
    %reduce_sum3A_12 = vector.shape_cast %reshape3A : vector<8192xf32> to vector<1x8192xf32>
    %reduce_sum3A_13 = arith.constant dense<0.000000e+00> : vector<1xf32>
    %reduce_sum3A_14 = vector.multi_reduction <add>, %reduce_sum3A_12, %reduce_sum3A_13 [1] : vector<1x8192xf32> to vector<1xf32>
    %reduce_sum3A_15 = vector.shape_cast %reduce_sum3A_14 : vector<1xf32> to vector<1x1xf32>
    %reduce_sum3A_16 = vector.extract %reduce_sum3A_15[0, 0] : f32 from vector<1x1xf32>
    %div3A = vector.broadcast %reduce_sum3A_16 : f32 to vector<8192xf32>
    %div3A_17 = arith.divf %reshape3A, %div3A : vector<8192xf32>
    %div3A_18 = arith.constant 2.621440e+05 : f32
    %div3A_19 = arith.divf %reduce_sum3A_8, %div3A_18 : f32
    %mul3A_20 = arith.constant 2.500000e-01 : f32
    %mul3A_21 = arith.mulf %mul3A_20, %div3A_19 : f32
    %mul3A_22 = arith.constant 1.000000e+00 : f32
    %mul3A_23 = arith.mulf %mul3A_22, %div3A_19 : f32
    %add3A = arith.addf %mul3A_21, %mul3A_23 : f32
    %reshape3A_24 = vector.broadcast %add3A : f32 to vector<1x1xf32>
    %swap3A = arith.constant 0 : index
    %swap3A_25 = arith.constant 0 : index
    %swap3A_26 = vector.load %arg3[%swap3A, %swap3A_25] : memref<1x1xf32, #tpu.memory_space<vmem>>, vector<1x1xf32>
    tpu.vector_store %arg3[%swap3A, %swap3A_25], %reshape3A_24 {strides = array<i32>} : memref<1x1xf32, #tpu.memory_space<vmem>>, vector<1x1xf32>,
    %div3A_27 = arith.constant 8.192000e+03 : f32
    %div3A_28 = arith.divf %reduce_sum3A_8, %div3A_27 : f32
    %reshape3A_29 = vector.broadcast %div3A_28 : f32 to vector<1x1xf32>
    %swap3A_30 = arith.constant 0 : index
    %swap3A_31 = arith.constant 0 : index
    %swap3A_32 = vector.load %arg4[%swap3A_30, %swap3A_31] : memref<1x1xf32, #tpu.memory_space<vmem>>, vector<1x1xf32>
    tpu.vector_store %arg4[%swap3A_30, %swap3A_31], %reshape3A_29 {strides = array<i32>} : memref<1x1xf32, #tpu.memory_space<vmem>>, vector<1x1xf32>,
    %gt3A = arith.constant 0.000000e+00 : f32
    %gt3A_33 = vector.broadcast %gt3A : f32 to vector<8192xf32>
    %gt3A_34 = arith.cmpf ogt, %reshape3A, %gt3A_33 : vector<8192xf32>
    %convert_element_type3A = arith.extui %gt3A_34 : vector<8192xi1> to vector<8192xi32>
    %convert_element_type3A_35 = arith.sitofp %convert_element_type3A : vector<8192xi32> to vector<8192xf32>
    %reduce_sum3A_36 = vector.shape_cast %convert_element_type3A_35 : vector<8192xf32> to vector<1x8192xf32>
    %reduce_sum3A_37 = arith.constant dense<0.000000e+00> : vector<1xf32>
    %reduce_sum3A_38 = vector.multi_reduction <add>, %reduce_sum3A_36, %reduce_sum3A_37 [1] : vector<1x8192xf32> to vector<1xf32>
    %reduce_sum3A_39 = vector.shape_cast %reduce_sum3A_38 : vector<1xf32> to vector<1x1xf32>
    %reduce_sum3A_40 = vector.extract %reduce_sum3A_39[0, 0] : f32 from vector<1x1xf32>
    %div3A_41 = arith.constant 8.192000e+03 : f32
    %div3A_42 = arith.divf %reduce_sum3A_40, %div3A_41 : f32
    %reshape3A_43 = vector.broadcast %div3A_42 : f32 to vector<1x1xf32>
    %swap3A_44 = arith.constant 0 : index
    %swap3A_45 = arith.constant 0 : index
    %swap3A_46 = vector.load %arg5[%swap3A_44, %swap3A_45] : memref<1x1xf32, #tpu.memory_space<vmem>>, vector<1x1xf32>
    tpu.vector_store %arg5[%swap3A_44, %swap3A_45], %reshape3A_43 {strides = array<i32>} : memref<1x1xf32, #tpu.memory_space<vmem>>, vector<1x1xf32>,
    %add3A_47 = arith.constant 1.000000e-10 : f32
    %add3A_48 = vector.broadcast %add3A_47 : f32 to vector<8192xf32>
    %add3A_49 = arith.addf %div3A_17, %add3A_48 : vector<8192xf32>
    %log3A = math.log %add3A_49 : vector<8192xf32>
    %mul3A_50 = arith.mulf %div3A_17, %log3A : vector<8192xf32>
    %reduce_sum3A_51 = vector.shape_cast %mul3A_50 : vector<8192xf32> to vector<1x8192xf32>
    %reduce_sum3A_52 = arith.constant dense<0.000000e+00> : vector<1xf32>
    %reduce_sum3A_53 = vector.multi_reduction <add>, %reduce_sum3A_51, %reduce_sum3A_52 [1] : vector<1x8192xf32> to vector<1xf32>
    %reduce_sum3A_54 = vector.shape_cast %reduce_sum3A_53 : vector<1xf32> to vector<1x1xf32>
    %reduce_sum3A_55 = vector.extract %reduce_sum3A_54[0, 0] : f32 from vector<1x1xf32>
    %neg3A = arith.constant 0.000000e+00 : f32
    %neg3A_56 = arith.subf %neg3A, %reduce_sum3A_55 : f32
    %exp3A = math.exp %neg3A_56 : f32
    %reshape3A_57 = vector.broadcast %exp3A : f32 to vector<1x1xf32>
    %swap3A_58 = arith.constant 0 : index
    %swap3A_59 = arith.constant 0 : index
    %swap3A_60 = vector.load %arg6[%swap3A_58, %swap3A_59] : memref<1x1xf32, #tpu.memory_space<vmem>>, vector<1x1xf32>
    tpu.vector_store %arg6[%swap3A_58, %swap3A_59], %reshape3A_57 {strides = array<i32>} : memref<1x1xf32, #tpu.memory_space<vmem>>, vector<1x1xf32>,
    return
  }
}

</mosaic_0001>

<sc_bundles>
// kernel: kernel.5.cloned.1.call-start
scs
__scs_entry_jumppad:
0x0: {  	(pc) =	sbr.rel $0x88, $3  }
0x1: {  	(tag) =	ssettag $0x0;
	lr =	simm.s32 $0x1  }
0x2: {  	[smem:$0x3F9F] =	sst lr;
	_ =	strace $0xD0000000  }
0x3: {  	_ = 	snop  }
0x4: {  	_ = 	snop  }
0x5: {  	_ = 	snop  }
0x6: {  	_ = 	snop  }
0x7: {  	_ = 	snop  }
__scs_overlays_trampoline_lowered:
0x8: {  	[smem:$0x3FAE] =	sst s0  }
0x9: {  	[smem:$0x3FAF] =	sst s1  }
0xa: {  	[smem:$0x3FB0] =	sst s2  }
0xb: {  	[smem:$0x3FB1] =	sst s3  }
0xc: {  	[smem:$0x3FB2] =	sst s4  }
0xd: {  	[smem:$0x3FB3] =	sst s5  }
0xe: {  	[smem:$0x3FB4] =	sst s6  }
0xf: {  	[smem:$0x3FB5] =	sst s7  }
0x10: {  	[smem:$0x3FB6] =	sst s8  }
0x11: {  	[smem:$0x3FB7] =	sst s9;
	s0 =	simm.s32 @!p0 $0x0  }
0x12: {  	s1 =	sld [smem:$0x3F9D];
	s0 =	simm.s32 @p0 $0x1  }
0x13: {  	[smem:$0x3FB8] =	sst s0;
	s0 =	simm.s32 @!p1 $0x0  }
0x14: {  	s2 =	sld [smem:$0x3F9C];
	s0 =	simm.s32 @p1 $0x1  }
0x15: {  	[smem:$0x3FB9] =	sst s0;
	s0 =	simm.s32 @!p2 $0x0  }
0x16: {  	s3 =	sld [smem:$0x3FDB];
	s0 =	simm.s32 @p2 $0x1  }
0x17: {  	s4 =	simm.s32 $0x1BF5;
	[smem:$0x3FBB] =	sst s0  }
0x18: {  	s0 =	sld [smem:$0x3F9E];
	_ =	swait.ge [sflag:s4], $0x0  }
0x19: {  	s7 =	sld [smem:$0x3F9F]  }
0x1a: {  	s8 =	sadd.s32 $0xFFFFE003, lr  }
0x1b: {  	s9 =	sadd.s32 $0xFFFFFEF7, lr;
	s5 =	simm.s32 $0xFFFFFFFF;
	p2 =	slt.u32 s8, $0xFFFFF086  }
0x1c: {  	p1 =	slt.u32 s9, $0xF7A;
	s5 =	simm.s32 @!p2 $0x0  }
0x1d: {  	s5 =	simm.s32 @p1 $0x1;
	p0 =	seq.s32 s7, s2  }
0x1e: {  	s7 =	smul.u32 @!p0 $0xF7A, s2;
	p2 =	seq.s32 @!p0 s5, $0x0  }
0x1f: {  	s9 =	smul.u32 $0xF7A, s1;
	s8 =	simm.s32 @!p0 $0x1BF5;
	p2 =	por !p2, p0  }
0x20: {  	[sflag:s8] =	ssyncset.s32 @!p0 $0xFFFFF086;
	s6 =	sadd.s32 @!p0 s3, s7;
	s7 =	simm.s32 @!p0 $0x108  }
0x21: {  	s3 =	sadd.s32 s3, s9;
	s6 =	sadd.s32 @!p0 $0x88, s6;
	s7 =	simm.s32 @p2 $0x1082  }
0x22: {  	[simem:s7], [sflag:s8] =	dma.local @!p0 [hbm:s6], $0xF7A  }
0x23: {  	s9 =	sor.u32 $0xD0000000, s2;
	s6 =	simm.s32 $0x108;
	_ =	swait.ge @!p0 [sflag:s8], $0x0  }
0x24: {  	s3 =	sadd.s32 $0x88, s3;
	s6 =	simm.s32 @!p1 $0x1082;
	[sflag:s4] =	ssyncset.s32 $0xFFFFF086  }
0x25: {  	[simem:s6], [sflag:s4] =	dma.local [hbm:s3], $0xF7A  }
0x26: {  	[smem:$0x3F9F] =	sst s1;
	(tag) =	ssettag s2;
	_ =	strace s9  }
0x27: {  	s1 =	sld [smem:$0x3FAF]  }
0x28: {  	s2 =	sld [smem:$0x3FB0]  }
0x29: {  	s4 =	sld [smem:$0x3FB2]  }
0x2a: {  	p0 =	seq.s32 s5, $0x0;
	s5 =	sld [smem:$0x3FB3]  }
0x2b: {  	s6 =	sld [smem:$0x3FB4]  }
0x2c: {  	s7 =	sld [smem:$0x3FB5]  }
0x2d: {  	s3 =	simm.s32 $0x108;
	s8 =	sld [smem:$0x3FB6]  }
0x2e: {  	s3 =	simm.s32 @!p0 $0x1082;
	s9 =	sld [smem:$0x3FB7]  }
0x2f: {  	lr =	sadd.s32 s0, s3;
	s0 =	sld [smem:$0x3FAE]  }
0x30: {  	s3 =	sld [smem:$0x3FB1]  }
0x31: {  	[smem:$0x3FBA] =	sst s10  }
0x32: {  	s10 =	sld [smem:$0x3FB8];
	_ =	sdelay $0x3  }
0x33: {  	p0 =	seq.s32 s10, $0x1;
	s10 =	sld [smem:$0x3FBA];
	_ =	sdelay $0x3  }
0x34: {  	[smem:$0x3FBA] =	sst s10  }
0x35: {  	s10 =	sld [smem:$0x3FB9];
	_ =	sdelay $0x3  }
0x36: {  	p1 =	seq.s32 s10, $0x1;
	s10 =	sld [smem:$0x3FBA];
	_ =	sdelay $0x3  }
0x37: {  	[smem:$0x3FBA] =	sst s10  }
0x38: {  	s10 =	sld [smem:$0x3FBB]  }
0x39: {  	_ = 	snop;
	(pc) =	sbr.ind lr, $3  }
0x3a: {  	_ = 	snop  }
0x3b: {  	_ = 	snop  }
0x3c: {  	p2 =	seq.s32 s10, $0x1;
	s10 =	sld [smem:$0x3FBA]  }
0x3d: {  	_ =	shalt  }
0x3e: {  	_ =	shalt  }
0x3f: {  	_ =	shalt  }
0x40: {  	_ =	shalt  }
0x41: {  	_ =	shalt  }
0x42: {  	_ =	shalt  }
0x43: {  	_ =	shalt  }
0x44: {  	_ =	shalt  }
0x45: {  	_ =	shalt  }
0x46: {  	_ =	shalt  }
0x47: {  	_ =	shalt  }
0x48: {  	_ =	shalt  }
0x49: {  	_ =	shalt  }
0x4a: {  	_ =	shalt  }
0x4b: {  	_ =	shalt  }
0x4c: {  	_ =	shalt  }
0x4d: {  	_ =	shalt  }
0x4e: {  	_ =	shalt  }
0x4f: {  	_ =	shalt  }
0x50: {  	_ =	shalt  }
0x51: {  	_ =	shalt  }
0x52: {  	_ =	shalt  }
0x53: {  	_ =	shalt  }
0x54: {  	_ =	shalt  }
0x55: {  	_ =	shalt  }
0x56: {  	_ =	shalt  }
0x57: {  	_ =	shalt  }
0x58: {  	_ =	shalt  }
0x59: {  	_ =	shalt  }
0x5a: {  	_ =	shalt  }
0x5b: {  	_ =	shalt  }
0x5c: {  	_ =	shalt  }
0x5d: {  	_ =	shalt  }
0x5e: {  	_ =	shalt  }
0x5f: {  	_ =	shalt  }
0x60: {  	_ =	shalt  }
0x61: {  	_ =	shalt  }
0x62: {  	_ =	shalt  }
0x63: {  	_ =	shalt  }
0x64: {  	_ =	shalt  }
0x65: {  	_ =	shalt  }
0x66: {  	_ =	shalt  }
0x67: {  	_ =	shalt  }
0x68: {  	_ =	shalt  }
0x69: {  	_ =	shalt  }
0x6a: {  	_ =	shalt  }
0x6b: {  	_ =	shalt  }
0x6c: {  	_ =	shalt  }
0x6d: {  	_ =	shalt  }
0x6e: {  	_ =	shalt  }
0x6f: {  	_ =	shalt  }
0x70: {  	_ =	shalt  }
0x71: {  	_ =	shalt  }
0x72: {  	_ =	shalt  }
0x73: {  	_ =	shalt  }
0x74: {  	_ =	shalt  }
0x75: {  	_ =	shalt  }
0x76: {  	_ =	shalt  }
0x77: {  	_ =	shalt  }
0x78: {  	_ =	shalt  }
0x79: {  	_ =	shalt  }
0x7a: {  	_ =	shalt  }
0x7b: {  	_ =	shalt  }
0x7c: {  	_ =	shalt  }
0x7d: {  	_ =	shalt  }
0x7e: {  	_ =	shalt  }
0x7f: {  	_ =	shalt  }
0x80: {  	_ =	shalt  }
0x81: {  	_ =	shalt  }
0x82: {  	_ =	shalt  }
0x83: {  	_ =	shalt  }
0x84: {  	_ =	shalt  }
0x85: {  	_ =	shalt  }
0x86: {  	_ =	shalt  }
0x87: {  	_ =	shalt  }
.Lfunc_end0:
.L_simem_size_0:
called_computation_lowered:
.L_overlay_start_0:
0x88: {  	s2 =	sld [smem:$0x3FD9]  }
0x89: {  	s3 =	sld [smem:$0x3FFE];
	_ =	sdelay $0x1  }
0x8a: {  	s1 =	srdreg.scid  }
0x8b: {  	s0 =	sand.u32 $0x1, s1  }
0x8c: {  	s14 =	sshll.u32 s0, $0xA;
	s2 =	sadd.s32 s3, s2  }
0x8d: {  	s2 =	sadd.s32 s2, s14  }
0x8e: {  	[smem:$0x3FC6] =	sst s2  }
0x8f: {  	_ = 	snop  }
0x90: {  	s2 =	sld [smem:$0x3FD0];
	_ =	sdelay $0x2  }
0x91: {  	s15 =	simm.s32 $0xA;
	s4 =	simm.s32 $0x10  }
0x92: {  	[smem:s4], [sflag:s15] =	dma.local [hbm:s2], $0x1  }
0x93: {  	_ =	swait.eq [sflag:s15], $0x1  }
0x94: {  	[sflag:s15] =	ssyncset.done $0x0  }
0x95: {  	[sflag:s15] =	ssyncadd.s32 $0xFFFFFFFF  }
0x96: {  	s16 =	sld [smem:$0x10];
	(tm) =	ssettm $0x1  }
0x97: {  	s17 =	sld [smem:$0x3FFB];
	_ =	sdelay $0x3  }
0x98: {  	_ =	strace s17  }
0x99: {  	s3 =	sld [smem:$0x3FFC];
	_ =	sdelay $0x3  }
0x9a: {  	_ =	strace s3  }
0x9b: {  	s3 =	sld [smem:$0x3FFD];
	_ =	sdelay $0x3  }
0x9c: {  	_ =	strace s3  }
0x9d: {  	_ =	strace $0x8FFFFFFF  }
0x9e: {  	s18 =	sld [smem:$0x3FDB];
	_ =	sdelay $0x1  }
0x9f: {  	s19 =	simm.s32 $_scs_section_size  }
0xa0: {  	s5 =	simm.s32 $_size__tile_overlayer_lowered;
	s6 =	simm.s32 $_tile_overlayer_lowered  }
0xa1: {  	s22 =	simm.s32 $0x1BFF;
	s21 =	sshll.u32 s6, $0x1;
	s3 =	sadd.s32 s19, s18  }
0xa2: {  	s7 =	simm.s32 $0x0;
	s20 =	sshll.u32 s5, $0x1;
	s5 =	sadd.s32 s21, s3  }
0xa3: {  	[timem:s7], [sflag:s22] =	dma.local [hbm:s5], s20  }
0xa4: {  	_ =	swait.ge [sflag:s22], s20  }
0xa5: {  	s4 =	ssub.s32 $0x0, s20;
	[sflag:s22] =	ssyncset.done $0x0  }
0xa6: {  	[sflag:s22] =	ssyncadd.s32 s4;
	_ =	sdelay $0x1  }
0xa7: {  	s23 =	simm.s32 $0x1B8B  }
0xa8: {  	_ =	swait.ge [sflag:s23], $0x1  }
0xa9: {  	[sflag:s23] =	ssyncset.done $0x0  }
0xaa: {  	s25 =	simm.s32 $0x1B8E;
	s24 =	sld [smem:$0x3FFE];
	[sflag:s23] =	ssyncadd.s32 $0xFFFFFFFF  }
0xab: {  	s26 =	simm.s32 $execute0_lowered;
	[smem:$0x3FD2] =	sst s25  }
0xac: {  	s5 =	sshll.u32 s26, $0x1;
	_ =	strace $0x80000046;
	[dreg:$0x1] =	wrdreg $0xFFFFFFFF  }
0xad: {  	s28 =	simm.s32 $_size_execute0_lowered;
	s3 =	sadd.s32 s3, s5;
	[dreg:$0x0] =	wrdreg $0x0  }
0xae: {  	s5 =	sshll.u32 s28, $0x1;
	[dreg:$0x2] =	wrdreg s3  }
0xaf: {  	[dreg:$0x3] =	wrdreg s5  }
0xb0: {  	[dreg:$0x4] =	wrdreg $0xC0  }
0xb1: {  	_ =	task [dreg:s7], $0x5FFFF  }
0xb2: {  	[dreg:$0x1] =	wrdreg $0xFFFFFFFF  }
0xb3: {  	[dreg:$0x0] =	wrdreg $0x60  }
0xb4: {  	[dreg:$0x2] =	wrdreg s16  }
0xb5: {  	[dreg:$0x3] =	wrdreg s24  }
0xb6: {  	[dreg:$0x4] =	wrdreg $0x9  }
0xb7: {  	_ =	task.clear_ibuf [dreg:s7], $0x5FFFF;
	_ =	strace $0x90000046  }
0xb8: {  	s29 =	simm.s32 $0x9;
	_ =	strace $0x80000048  }
0xb9: {  	_ =	swait.ge [sflag:s29], $0x1  }
0xba: {  	[sflag:s29] =	ssyncadd.s32 $0xFFFFFFFF  }
0xbb: {  	_ =	strace $0x90000048  }
0xbc: {  	_ =	sfence  }
0xbd: {  	s30 =	sld [smem:$0x0];
	_ =	sdelay $0x2  }
0xbe: {  	s31 =	sshll.u32 s1, $0xD;
	s1 =	sshrl.u32 s1, $0x2  }
0xbf: {  	s3 =	sand.u32 $0x4000, s31;
	s1 =	sadd.s32 s1, s30  }
0xc0: {  	s0 =	sor.u32 s3, s0;
	s1 =	sshll.u32 s1, $0x11  }
0xc1: {  	s0 =	sor.u32 s1, s0  }
0xc2: {  	s0 =	sadd.s32 $0x8F2B, s0  }
0xc3: {  	[sflag:s0] =	ssyncadd.remote.s32 $0x1  }
0xc4: {  	_ =	sfence.sel $0xFFFF  }
0xc5: {  	[dreg:$0x0] =	wrdreg $0xFFFFFFFF;
	(pc) =	sbr.abs _section_cstart, $3  }
0xc6: {  	[dreg:$0x1] =	wrdreg $0xFFFFFFFF  }
0xc7: {  	_ =	task.clear_ibuf [dreg:s7], $0x2FFFF;
	_ =	strace $0x9FFFFFFF  }
0xc8: {  	(tm) =	ssettm $0x7FFFFFFF  }
0xc9: {  	_ =	shalt  }
tec
execute0_lowered:
.L_overlay_start_1:
0x0: {  	(tag) =	ssettag $0x1  }
0x1: {  	s1 =	srdreg.scid;
	s0 =	stileid.u32  }
0x2: {  	s2 =	rddreg [dreg:$0x0];
	s10 =	sand.u32 $0x1, s1;
	s29 =	sshll.u32 s0, $0x1  }
0x3: {  	s11 =	rddreg [dreg:$0x1];
	s12 =	sor.u32 s10, s29  }
0x4: {  	s3 =	simm.s32 $0x0;
	s1 =	rddreg [dreg:$0x2];
	s4 =	sshll.u32 s12, $0x5  }
0x5: {  	[smem:$0x7FF] =	sst s3;
	s4 =	sadd.s32 s4, s11  }
0x6: {  	_ =	strace $0x80000047;
	s5 =	sadd.s32 $0xE00, s4;
	s4 =	simm.s32 $0x2  }
0x7: {  	[tilespmem:s3], [sflag:$0x2] =	stream.linear.gather [hbm4b:s5+s3], $0x100, $0x38;
	[tilespmem:$0x8100] =	vst v63  }
0x8: {  	_ =	swait.ge [sflag:s4], $0x100  }
0x9: {  	[sflag:s4] =	ssyncset.done $0x0  }
0xa: {  	s6 =	simm.s32 $0x80;
	s7 =	simm.s32 $0x100;
	[sflag:s4] =	ssyncadd.s32 $0xFFFFFF00  }
0xb: {  	[tilespmem:s7], [sflag:$0x1] =	stream.indirect.gather [hbm4b:s2+s6], $0x80, s3, s6, $0xb8;
	[tilespmem:$0x8100] =	vst v63  }
0xc: {  	s8 =	simm.s32 $0x4100;
	s9 =	simm.s32 $0x1;
	s10 =	ssub.s32 $0x2, s10  }
0xd: {  	[tilespmem:s8], [sflag:$0x1] =	stream.indirect.gather [hbm4b:s2+s6], $0x80, s6, s6, $0xb8;
	[tilespmem:$0x8100] =	vst v63  }
0xe: {  	s13 =	sshrl.u32 s10, $0x1;
	_ =	swait.ge [sflag:s9], $0x4000  }
0xf: {  	s30 =	ssub.s32 s10, s13;
	[sflag:s9] =	ssyncset.done $0x0  }
0x10: {  	s31 =	smax.u32 s30, $0x1;
	[sflag:s9] =	ssyncadd.s32 $0xFFFFC000  }
0x11: {  	s12 =	sshll.u32 s12, $0xC;
	p0 =	sne.s32 s31, $0x1;
	_ =	swait.ge [sflag:s9], $0x4000  }
.Ltmp0:
0x12: {  	s11 =	sadd.s32 s12, s11;
	[sflag:s9] =	ssyncset.done $0x0;
	(pc) =	sbr.rel @!p0 .LBB2_2-.Ltmp0, $4  }
0x13: {  	s10 =	sadd.s32 $0x1200, s11;
	[sflag:s9] =	ssyncadd.s32 $0xFFFFC000  }
0x14: {  	[hbm4b:s10+s3] =	stream.linear.scatter [tilespmem:s7], [sflag:$0x2], $0x8000, $0x38;
	[tilespmem:$0x8100] =	vst v63  }
0x15: {  	_ =	swait.ge [sflag:s4], $0x8000  }
0x16: {  	s11 =	sadd.s32 $0xFFFFFFFF, s31;
	[sflag:s4] =	ssyncset.done $0x0  }
.LBB2_1:
0x17: {  	p0 =	sne.s32 s11, $0x1;
	s11 =	sadd.s32 $0xFFFFFFFF, s11;
	[sflag:s4] =	ssyncadd.s32 $0xFFFF8000  }
0x18: {  	[tilespmem:s3], [sflag:$0x2] =	stream.linear.gather [hbm4b:s5+s3], $0x100, $0x38;
	[tilespmem:$0x8100] =	vst v63  }
0x19: {  	_ =	swait.ge [sflag:s4], $0x100  }
0x1a: {  	[sflag:s4] =	ssyncset.done $0x0  }
0x1b: {  	[sflag:s4] =	ssyncadd.s32 $0xFFFFFF00  }
0x1c: {  	[tilespmem:s7], [sflag:$0x1] =	stream.indirect.gather [hbm4b:s2+s6], $0x80, s3, s6, $0xb8;
	[tilespmem:$0x8100] =	vst v63  }
0x1d: {  	_ = 	snop  }
0x1e: {  	[tilespmem:s8], [sflag:$0x1] =	stream.indirect.gather [hbm4b:s2+s6], $0x80, s6, s6, $0xb8;
	[tilespmem:$0x8100] =	vst v63  }
0x1f: {  	_ =	swait.ge [sflag:s9], $0x4000  }
0x20: {  	[sflag:s9] =	ssyncset.done $0x0  }
0x21: {  	[sflag:s9] =	ssyncadd.s32 $0xFFFFC000  }
0x22: {  	_ =	swait.ge [sflag:s9], $0x4000  }
.Ltmp1:
0x23: {  	[sflag:s9] =	ssyncset.done $0x0;
	(pc) =	sbr.rel @p0 .LBB2_1-.Ltmp1, $4  }
0x24: {  	[sflag:s9] =	ssyncadd.s32 $0xFFFFC000  }
0x25: {  	[hbm4b:s10+s3] =	stream.linear.scatter [tilespmem:s7], [sflag:$0x2], $0x8000, $0x38;
	[tilespmem:$0x8100] =	vst v63  }
0x26: {  	_ =	swait.ge [sflag:s4], $0x8000  }
0x27: {  	[sflag:s4] =	ssyncset.done $0x0  }
.LBB2_2:
0x28: {  	[sflag:s4] =	ssyncadd.s32 $0xFFFF8000  }
0x29: {  	_ =	sfence.sel $0x180000  }
0x2a: {  	[bflag:$0x0] =	sbarrier.arrive $0xFFFF  }
0x2b: {  	p0 =	sne.s32 s0, $0x0;
	_ =	strace $0x90000047  }
0x2c: {  	s0 =	sadd.s32 @!p0 $0x100000, s1;
	[bflag:$0x2] =	sbarrier.arrive $0xFFFF  }
0x2d: {  	[sflag:s0] =	ssyncadd.tile.s32 @!p0 $0x1;
	_ =	shalt  }
.Lfunc_end2:
_tile_overlayer_lowered:
.L_overlay_start_2:
0x2e: {  	(tag) =	ssettag $0x2  }
0x2f: {  	s0 =	rddreg [dreg:$0x0];
	s2 =	stileid.u32  }
0x30: {  	s1 =	rddreg [dreg:$0x1];
	p0 =	sne.s32 s2, $0x0  }
0x31: {  	s3 =	rddreg [dreg:$0x2];
	[bflag:$0x3] =	sbarrier.arrive $0xFFFF;
	s2 =	simm.s32 @!p0 $0x1C02  }
0x32: {  	[timem:s3], [sflag:s2] =	dma.local @!p0 [hbm:s0], s1  }
0x33: {  	s0 =	simm.s32 @!p0 $0x2  }
0x34: {  	_ =	swait.ge @!p0 [sflag:s0], s1  }
0x35: {  	s1 =	ssub.s32 @!p0 $0x0, s1;
	[sflag:s0] =	ssyncset.done @!p0 $0x0  }
0x36: {  	[sflag:s0] =	ssyncadd.s32 @!p0 s1  }
0x37: {  	[bflag:$0x3] =	sbarrier.arrive $0xFFFF  }
0x38: {  	_ =	shalt  }

</sc_bundles>
